<compile_context>
chip_gen: v7x
topology: tpu7x:2x2x1
jax: 0.10.2.dev20260603
libtpu: 0.0.44.dev20260713+nightly
codegen_flags: <defaults>
</compile_context>

<pallas_src>
import functools

import jax
import jax.numpy as jnp
from jax import lax
from jax.experimental import pallas as pl
from jax.experimental.pallas import tpu as pltpu
from jax.experimental.pallas import tpu_sc as plsc

D_MODEL = 1024
NC = 2
NS = 16
NW = NC * NS
K = 16
N_CHUNKS = 64
NBUF = 4
G = 2
W = 2


def _pe_gather(idx3, table):
    B = NW * N_CHUNKS * K
    mesh = plsc.VectorSubcoreMesh(core_axis_name="c", subcore_axis_name="s")

    @functools.partial(
        pl.kernel,
        mesh=mesh,
        out_type=jax.ShapeDtypeStruct((B, D_MODEL), jnp.float32),
        scratch_types=(
            [pltpu.VMEM((N_CHUNKS, K), jnp.int32)]
            + [pltpu.VMEM((K, D_MODEL), jnp.float32) for _ in range(NBUF)]
            + [pltpu.SemaphoreType.DMA for _ in range(2 * NBUF)]
        ),
    )
    def body(idx_hbm, table_hbm, out_hbm, idx_v, *rest):
        bufs = rest[:NBUF]
        gsems = rest[NBUF:2 * NBUF]
        wsems = rest[2 * NBUF:]
        wid = lax.axis_index("s") * NC + lax.axis_index("c")
        base = wid * (N_CHUNKS * K)
        pltpu.sync_copy(idx_hbm.at[wid], idx_v)

        def gather(c, b):
            return pltpu.async_copy(table_hbm.at[idx_v.at[c]], bufs[b], gsems[b])

        def wait_gather(c, b):
            pltpu.make_async_copy(
                table_hbm.at[idx_v.at[c]], bufs[b], gsems[b]).wait()

        def write(c, b):
            return pltpu.async_copy(
                bufs[b], out_hbm.at[pl.ds(base + c * K, K)], wsems[b])

        def wait_write(c, b):
            pltpu.make_async_copy(
                bufs[b], out_hbm.at[pl.ds(base + c * K, K)], wsems[b]).wait()

        for c in range(G):
            gather(c, c % NBUF)

        def step(c, j):
            wait_gather(c, j % NBUF)
            write(c, j % NBUF)

            @pl.when(c >= W)
            def _():
                wait_write(c - W, (j - W) % NBUF)

            @pl.when(c + G < N_CHUNKS)
            def _():
                gather(c + G, (j + G) % NBUF)

        def ring(i, carry):
            for j in range(NBUF):
                step(NBUF * i + j, j)
            return carry

        n_rounds = N_CHUNKS // NBUF
        lax.fori_loop(0, n_rounds, ring, 0)
        for c in range(n_rounds * NBUF, N_CHUNKS):
            step(jnp.int32(c), c % NBUF)
        for c in range(N_CHUNKS - W, N_CHUNKS):
            wait_write(jnp.int32(c), c % NBUF)

    return body(idx3, table)


def kernel(token_positions, PE):
    idx3 = token_positions.reshape(NW, N_CHUNKS, K)
    out = _pe_gather(idx3, PE)
    return out.reshape(token_positions.shape + (D_MODEL,))

# --- scband reference (transcript-rebuilt; emitter-appended) ---
"""Pipeline reference for scband-sinusoidal-positional-encoding-45518063403648 (READ-ONLY COPY).

The authoritative reference and input builder live on the scoring server;
editing this copy changes nothing except your own understanding.
"""

import jax, jax.numpy as jnp
import numpy as np

D_MODEL = 1024
MAX_SEQ_LEN = 8192
BATCH = 4
SEQ_LEN = 8192


def _build_pe():
    p = jnp.arange(MAX_SEQ_LEN, dtype=jnp.float32)[:, None]
    i = jnp.arange(D_MODEL // 2, dtype=jnp.float32)[None, :]
    angle = p / jnp.power(10000.0, 2.0 * i / D_MODEL)
    PE = jnp.zeros((MAX_SEQ_LEN, D_MODEL), dtype=jnp.float32)
    PE = PE.at[:, 0::2].set(jnp.sin(angle))
    PE = PE.at[:, 1::2].set(jnp.cos(angle))
    return PE


def setup_inputs(seed: int = 0) -> dict:
    key = jax.random.key(seed)
    token_positions = jax.random.randint(key, (BATCH, SEQ_LEN), 0, MAX_SEQ_LEN, dtype=jnp.int32)
    PE = _build_pe()
    return {"token_positions": token_positions, "PE": PE}


def reference(token_positions, PE):
    # Faithful translation of SinusoidalPositionalEncoding.forward:
    # return self.PE[token_positions]  (pure row gather from the PE buffer)
    return jnp.take(PE, token_positions, axis=0)

if __name__ == "__main__":
    import jax
    _d = setup_inputs()
    print(jax.jit(kernel)(*tuple(_d.values())))

</pallas_src>

<mosaic_0001>
#map = affine_map<(d0, d1) -> (0, 0, 0)>
#map1 = affine_map<(d0, d1) -> (0, 0)>
module attributes {stable_mosaic.version = 14 : i64} {
  func.func @body(%arg0: i32, %arg1: i32, %arg2: memref<32x64x16xi32, #tpu.memory_space<hbm>>, %arg3: memref<8192x1024xf32, #tpu.memory_space<hbm>>, %arg4: memref<32768x1024xf32, #tpu.memory_space<hbm>>, %arg5: memref<64x16xi32, #tpu.memory_space<vmem>>, %arg6: memref<16x1024xf32, #tpu.memory_space<vmem>>, %arg7: memref<16x1024xf32, #tpu.memory_space<vmem>>, %arg8: memref<16x1024xf32, #tpu.memory_space<vmem>>, %arg9: memref<16x1024xf32, #tpu.memory_space<vmem>>, %arg10: memref<!tpu.dma_semaphore, #tpu.memory_space<semaphore_mem>>, %arg11: memref<!tpu.dma_semaphore, #tpu.memory_space<semaphore_mem>>, %arg12: memref<!tpu.dma_semaphore, #tpu.memory_space<semaphore_mem>>, %arg13: memref<!tpu.dma_semaphore, #tpu.memory_space<semaphore_mem>>, %arg14: memref<!tpu.dma_semaphore, #tpu.memory_space<semaphore_mem>>, %arg15: memref<!tpu.dma_semaphore, #tpu.memory_space<semaphore_mem>>, %arg16: memref<!tpu.dma_semaphore, #tpu.memory_space<semaphore_mem>>, %arg17: memref<!tpu.dma_semaphore, #tpu.memory_space<semaphore_mem>>) attributes {dimension_semantics = [#tpu.dimension_semantics<core_parallel>, #tpu.dimension_semantics<subcore_parallel>], iteration_bounds = array<i64: 2, 16>, scalar_prefetch = 0 : i64, scratch_operands = 13 : i64, tpu.core_type = #tpu.core_type<sc_vector_subcore>, window_params = [{transform_indices = #map}, {transform_indices = #map1}, {transform_indices = #map1}]} {
    %mul3A = arith.constant 2 : i32
    %mul3A_0 = arith.muli %arg1, %mul3A : i32
    %add3A = arith.addi %mul3A_0, %arg0 : i32
    %mul3A_1 = arith.constant 1024 : i32
    %mul3A_2 = arith.muli %add3A, %mul3A_1 : i32
    "tpu.region"() ({
      %run_scoped3A = tpu.sem_alloc : memref<!tpu.dma_semaphore, #tpu.memory_space<semaphore_mem>>
      %dma_start3A_36 = arith.constant 0 : i32
      %dma_start3A_37 = arith.constant 0 : i32
      %dma_start3A_38 = tpu.memref_slice %arg2[%add3A, %dma_start3A_36, %dma_start3A_37] : memref<32x64x16xi32, #tpu.memory_space<hbm>> -> memref<1x64x16xi32, #tpu.memory_space<hbm>>
      %dma_start3A_39 = tpu.memref_squeeze %dma_start3A_38 : memref<1x64x16xi32, #tpu.memory_space<hbm>> -> memref<64x16xi32, #tpu.memory_space<hbm>>
      %dma_start3A_40 = arith.constant 0 : i32
      %dma_start3A_41 = arith.constant 0 : i32
      %dma_start3A_42 = tpu.memref_slice %arg2[%add3A, %dma_start3A_40, %dma_start3A_41] : memref<32x64x16xi32, #tpu.memory_space<hbm>> -> memref<1x64x16xi32, #tpu.memory_space<hbm>>
      %dma_start3A_43 = tpu.memref_squeeze %dma_start3A_42 : memref<1x64x16xi32, #tpu.memory_space<hbm>> -> memref<64x16xi32, #tpu.memory_space<hbm>>
      tpu.enqueue_dma source(%dma_start3A_43 : memref<64x16xi32, #tpu.memory_space<hbm>>) target(%arg5 : memref<64x16xi32, #tpu.memory_space<vmem>>) target_semaphore(%run_scoped3A : memref<!tpu.dma_semaphore, #tpu.memory_space<semaphore_mem>>)
      %dma_wait3A_44 = arith.constant 0 : i32
      %dma_wait3A_45 = arith.constant 0 : i32
      %dma_wait3A_46 = tpu.memref_slice %arg2[%add3A, %dma_wait3A_44, %dma_wait3A_45] : memref<32x64x16xi32, #tpu.memory_space<hbm>> -> memref<1x64x16xi32, #tpu.memory_space<hbm>>
      %dma_wait3A_47 = tpu.memref_squeeze %dma_wait3A_46 : memref<1x64x16xi32, #tpu.memory_space<hbm>> -> memref<64x16xi32, #tpu.memory_space<hbm>>
      %dma_wait3A_48 = arith.constant 0 : i32
      %dma_wait3A_49 = arith.constant 0 : i32
      %dma_wait3A_50 = tpu.memref_slice %arg2[%add3A, %dma_wait3A_48, %dma_wait3A_49] : memref<32x64x16xi32, #tpu.memory_space<hbm>> -> memref<1x64x16xi32, #tpu.memory_space<hbm>>
      %dma_wait3A_51 = tpu.memref_squeeze %dma_wait3A_50 : memref<1x64x16xi32, #tpu.memory_space<hbm>> -> memref<64x16xi32, #tpu.memory_space<hbm>>
      tpu.wait_dma2 semaphore(%run_scoped3A : memref<!tpu.dma_semaphore, #tpu.memory_space<semaphore_mem>>) src(%dma_wait3A_51 : memref<64x16xi32, #tpu.memory_space<hbm>>) dst(%arg5 : memref<64x16xi32, #tpu.memory_space<vmem>>)
      tpu.yield
    }) : () -> ()
    %dma_start3A = arith.constant 0 : i32
    %dma_start3A_3 = arith.constant 0 : i32
    %dma_start3A_4 = tpu.memref_slice %arg5[%dma_start3A, %dma_start3A_3] : memref<64x16xi32, #tpu.memory_space<vmem>> -> memref<1x16xi32, #tpu.memory_space<vmem>>
    %dma_start3A_5 = tpu.memref_squeeze %dma_start3A_4 : memref<1x16xi32, #tpu.memory_space<vmem>> -> memref<16xi32, #tpu.memory_space<vmem>>
    %dma_start3A_6 = arith.constant 0 : i32
    %dma_start3A_7 = arith.constant 0 : i32
    %dma_start3A_8 = tpu.memref_slice %arg3[%dma_start3A_6, %dma_start3A_7] : memref<8192x1024xf32, #tpu.memory_space<hbm>> -> memref<8192x1024xf32, #tpu.memory_space<hbm>>
    tpu.enqueue_indirect_dma source(%dma_start3A_8 : memref<8192x1024xf32, #tpu.memory_space<hbm>>) target(%arg6 : memref<16x1024xf32, #tpu.memory_space<vmem>>) offsets(%dma_start3A_5 : memref<16xi32, #tpu.memory_space<vmem>>) semaphore(%arg10 : memref<!tpu.dma_semaphore, #tpu.memory_space<semaphore_mem>>)
    %dma_start3A_9 = arith.constant 1 : i32
    %dma_start3A_10 = arith.constant 0 : i32
    %dma_start3A_11 = tpu.memref_slice %arg5[%dma_start3A_9, %dma_start3A_10] : memref<64x16xi32, #tpu.memory_space<vmem>> -> memref<1x16xi32, #tpu.memory_space<vmem>>
    %dma_start3A_12 = tpu.memref_squeeze %dma_start3A_11 : memref<1x16xi32, #tpu.memory_space<vmem>> -> memref<16xi32, #tpu.memory_space<vmem>>
    %dma_start3A_13 = arith.constant 0 : i32
    %dma_start3A_14 = arith.constant 0 : i32
    %dma_start3A_15 = tpu.memref_slice %arg3[%dma_start3A_13, %dma_start3A_14] : memref<8192x1024xf32, #tpu.memory_space<hbm>> -> memref<8192x1024xf32, #tpu.memory_space<hbm>>
    tpu.enqueue_indirect_dma source(%dma_start3A_15 : memref<8192x1024xf32, #tpu.memory_space<hbm>>) target(%arg7 : memref<16x1024xf32, #tpu.memory_space<vmem>>) offsets(%dma_start3A_12 : memref<16xi32, #tpu.memory_space<vmem>>) semaphore(%arg11 : memref<!tpu.dma_semaphore, #tpu.memory_space<semaphore_mem>>)
    %scan3A = arith.constant 0 : i32
    %scan3A_16 = arith.constant 0 : i32
    %scan3A_17 = arith.constant 16 : i32
    %scan3A_18 = arith.addi %scan3A_16, %scan3A_17 : i32
    %scan3A_19 = arith.constant 1 : i32
    scf.for %scan3A_36 = %scan3A_16 to %scan3A_18 step %scan3A_19  : i32 {
      %mul3A_37 = arith.constant 4 : i32
      %mul3A_38 = arith.muli %mul3A_37, %scan3A_36 : i32
      %add3A_39 = arith.constant 0 : i32
      %add3A_40 = arith.addi %mul3A_38, %add3A_39 : i32
      %dma_wait3A_41 = arith.constant 0 : i32
      %dma_wait3A_42 = tpu.memref_slice %arg5[%add3A_40, %dma_wait3A_41] : memref<64x16xi32, #tpu.memory_space<vmem>> -> memref<1x16xi32, #tpu.memory_space<vmem>>
      %dma_wait3A_43 = tpu.memref_squeeze %dma_wait3A_42 : memref<1x16xi32, #tpu.memory_space<vmem>> -> memref<16xi32, #tpu.memory_space<vmem>>
      %dma_wait3A_44 = arith.constant 0 : i32
      %dma_wait3A_45 = arith.constant 0 : i32
      %dma_wait3A_46 = tpu.memref_slice %arg3[%dma_wait3A_44, %dma_wait3A_45] : memref<8192x1024xf32, #tpu.memory_space<hbm>> -> memref<8192x1024xf32, #tpu.memory_space<hbm>>
      tpu.wait_indirect_dma semaphore(%arg10 : memref<!tpu.dma_semaphore, #tpu.memory_space<semaphore_mem>>) src(%dma_wait3A_46 : memref<8192x1024xf32, #tpu.memory_space<hbm>>) dst(%arg6 : memref<16x1024xf32, #tpu.memory_space<vmem>>)
      %mul3A_47 = arith.constant 16 : i32
      %mul3A_48 = arith.muli %add3A_40, %mul3A_47 : i32
      %add3A_49 = arith.addi %mul3A_2, %mul3A_48 : i32
      %dma_start3A_50 = arith.constant 0 : i32
      %dma_start3A_51 = tpu.memref_slice %arg4[%add3A_49, %dma_start3A_50] : memref<32768x1024xf32, #tpu.memory_space<hbm>> -> memref<16x1024xf32, #tpu.memory_space<hbm>>
      %dma_start3A_52 = arith.constant 0 : i32
      %dma_start3A_53 = tpu.memref_slice %arg4[%add3A_49, %dma_start3A_52] : memref<32768x1024xf32, #tpu.memory_space<hbm>> -> memref<16x1024xf32, #tpu.memory_space<hbm>>
      tpu.enqueue_dma source(%arg6 : memref<16x1024xf32, #tpu.memory_space<vmem>>) target(%dma_start3A_53 : memref<16x1024xf32, #tpu.memory_space<hbm>>) target_semaphore(%arg14 : memref<!tpu.dma_semaphore, #tpu.memory_space<semaphore_mem>>)
      %ge3A = arith.constant 2 : i32
      %ge3A_54 = arith.cmpi sge, %add3A_40, %ge3A : i32
      %convert_element_type3A = arith.extui %ge3A_54 : i1 to i32
      %cond3A = arith.constant 0 : i32
      %cond3A_55 = arith.cmpi ne, %convert_element_type3A, %cond3A : i32
      scf.if %cond3A_55 {
        %sub3A = arith.constant 2 : i32
        %sub3A_149 = arith.subi %add3A_40, %sub3A : i32
        %mul3A_150 = arith.constant 16 : i32
        %mul3A_151 = arith.muli %sub3A_149, %mul3A_150 : i32
        %add3A_152 = arith.addi %mul3A_2, %mul3A_151 : i32
        %dma_wait3A_153 = arith.constant 0 : i32
        %dma_wait3A_154 = tpu.memref_slice %arg4[%add3A_152, %dma_wait3A_153] : memref<32768x1024xf32, #tpu.memory_space<hbm>> -> memref<16x1024xf32, #tpu.memory_space<hbm>>
        %dma_wait3A_155 = arith.constant 0 : i32
        %dma_wait3A_156 = tpu.memref_slice %arg4[%add3A_152, %dma_wait3A_155] : memref<32768x1024xf32, #tpu.memory_space<hbm>> -> memref<16x1024xf32, #tpu.memory_space<hbm>>
        tpu.wait_dma2 semaphore(%arg16 : memref<!tpu.dma_semaphore, #tpu.memory_space<semaphore_mem>>) src(%arg8 : memref<16x1024xf32, #tpu.memory_space<vmem>>) dst(%dma_wait3A_156 : memref<16x1024xf32, #tpu.memory_space<hbm>>)
      } else {
      }
      %add3A_56 = arith.constant 2 : i32
      %add3A_57 = arith.addi %add3A_40, %add3A_56 : i32
      %lt3A = arith.constant 64 : i32
      %lt3A_58 = arith.cmpi slt, %add3A_57, %lt3A : i32
      %convert_element_type3A_59 = arith.extui %lt3A_58 : i1 to i32
      %cond3A_60 = arith.constant 0 : i32
      %cond3A_61 = arith.cmpi ne, %convert_element_type3A_59, %cond3A_60 : i32
      scf.if %cond3A_61 {
        %add3A_149 = arith.constant 2 : i32
        %add3A_150 = arith.addi %add3A_40, %add3A_149 : i32
        %dma_start3A_151 = arith.constant 0 : i32
        %dma_start3A_152 = tpu.memref_slice %arg5[%add3A_150, %dma_start3A_151] : memref<64x16xi32, #tpu.memory_space<vmem>> -> memref<1x16xi32, #tpu.memory_space<vmem>>
        %dma_start3A_153 = tpu.memref_squeeze %dma_start3A_152 : memref<1x16xi32, #tpu.memory_space<vmem>> -> memref<16xi32, #tpu.memory_space<vmem>>
        %dma_start3A_154 = arith.constant 0 : i32
        %dma_start3A_155 = arith.constant 0 : i32
        %dma_start3A_156 = tpu.memref_slice %arg3[%dma_start3A_154, %dma_start3A_155] : memref<8192x1024xf32, #tpu.memory_space<hbm>> -> memref<8192x1024xf32, #tpu.memory_space<hbm>>
        tpu.enqueue_indirect_dma source(%dma_start3A_156 : memref<8192x1024xf32, #tpu.memory_space<hbm>>) target(%arg8 : memref<16x1024xf32, #tpu.memory_space<vmem>>) offsets(%dma_start3A_153 : memref<16xi32, #tpu.memory_space<vmem>>) semaphore(%arg12 : memref<!tpu.dma_semaphore, #tpu.memory_space<semaphore_mem>>)
      } else {
      }
      %mul3A_62 = arith.constant 4 : i32
      %mul3A_63 = arith.muli %mul3A_62, %scan3A_36 : i32
      %add3A_64 = arith.constant 1 : i32
      %add3A_65 = arith.addi %mul3A_63, %add3A_64 : i32
      %dma_wait3A_66 = arith.constant 0 : i32
      %dma_wait3A_67 = tpu.memref_slice %arg5[%add3A_65, %dma_wait3A_66] : memref<64x16xi32, #tpu.memory_space<vmem>> -> memref<1x16xi32, #tpu.memory_space<vmem>>
      %dma_wait3A_68 = tpu.memref_squeeze %dma_wait3A_67 : memref<1x16xi32, #tpu.memory_space<vmem>> -> memref<16xi32, #tpu.memory_space<vmem>>
      %dma_wait3A_69 = arith.constant 0 : i32
      %dma_wait3A_70 = arith.constant 0 : i32
      %dma_wait3A_71 = tpu.memref_slice %arg3[%dma_wait3A_69, %dma_wait3A_70] : memref<8192x1024xf32, #tpu.memory_space<hbm>> -> memref<8192x1024xf32, #tpu.memory_space<hbm>>
      tpu.wait_indirect_dma semaphore(%arg11 : memref<!tpu.dma_semaphore, #tpu.memory_space<semaphore_mem>>) src(%dma_wait3A_71 : memref<8192x1024xf32, #tpu.memory_space<hbm>>) dst(%arg7 : memref<16x1024xf32, #tpu.memory_space<vmem>>)
      %mul3A_72 = arith.constant 16 : i32
      %mul3A_73 = arith.muli %add3A_65, %mul3A_72 : i32
      %add3A_74 = arith.addi %mul3A_2, %mul3A_73 : i32
      %dma_start3A_75 = arith.constant 0 : i32
      %dma_start3A_76 = tpu.memref_slice %arg4[%add3A_74, %dma_start3A_75] : memref<32768x1024xf32, #tpu.memory_space<hbm>> -> memref<16x1024xf32, #tpu.memory_space<hbm>>
      %dma_start3A_77 = arith.constant 0 : i32
      %dma_start3A_78 = tpu.memref_slice %arg4[%add3A_74, %dma_start3A_77] : memref<32768x1024xf32, #tpu.memory_space<hbm>> -> memref<16x1024xf32, #tpu.memory_space<hbm>>
      tpu.enqueue_dma source(%arg7 : memref<16x1024xf32, #tpu.memory_space<vmem>>) target(%dma_start3A_78 : memref<16x1024xf32, #tpu.memory_space<hbm>>) target_semaphore(%arg15 : memref<!tpu.dma_semaphore, #tpu.memory_space<semaphore_mem>>)
      %ge3A_79 = arith.constant 2 : i32
      %ge3A_80 = arith.cmpi sge, %add3A_65, %ge3A_79 : i32
      %convert_element_type3A_81 = arith.extui %ge3A_80 : i1 to i32
      %cond3A_82 = arith.constant 0 : i32
      %cond3A_83 = arith.cmpi ne, %convert_element_type3A_81, %cond3A_82 : i32
      scf.if %cond3A_83 {
        %sub3A = arith.constant 2 : i32
        %sub3A_149 = arith.subi %add3A_65, %sub3A : i32
        %mul3A_150 = arith.constant 16 : i32
        %mul3A_151 = arith.muli %sub3A_149, %mul3A_150 : i32
        %add3A_152 = arith.addi %mul3A_2, %mul3A_151 : i32
        %dma_wait3A_153 = arith.constant 0 : i32
        %dma_wait3A_154 = tpu.memref_slice %arg4[%add3A_152, %dma_wait3A_153] : memref<32768x1024xf32, #tpu.memory_space<hbm>> -> memref<16x1024xf32, #tpu.memory_space<hbm>>
        %dma_wait3A_155 = arith.constant 0 : i32
        %dma_wait3A_156 = tpu.memref_slice %arg4[%add3A_152, %dma_wait3A_155] : memref<32768x1024xf32, #tpu.memory_space<hbm>> -> memref<16x1024xf32, #tpu.memory_space<hbm>>
        tpu.wait_dma2 semaphore(%arg17 : memref<!tpu.dma_semaphore, #tpu.memory_space<semaphore_mem>>) src(%arg9 : memref<16x1024xf32, #tpu.memory_space<vmem>>) dst(%dma_wait3A_156 : memref<16x1024xf32, #tpu.memory_space<hbm>>)
      } else {
      }
      %add3A_84 = arith.constant 2 : i32
      %add3A_85 = arith.addi %add3A_65, %add3A_84 : i32
      %lt3A_86 = arith.constant 64 : i32
      %lt3A_87 = arith.cmpi slt, %add3A_85, %lt3A_86 : i32
      %convert_element_type3A_88 = arith.extui %lt3A_87 : i1 to i32
      %cond3A_89 = arith.constant 0 : i32
      %cond3A_90 = arith.cmpi ne, %convert_element_type3A_88, %cond3A_89 : i32
      scf.if %cond3A_90 {
        %add3A_149 = arith.constant 2 : i32
        %add3A_150 = arith.addi %add3A_65, %add3A_149 : i32
        %dma_start3A_151 = arith.constant 0 : i32
        %dma_start3A_152 = tpu.memref_slice %arg5[%add3A_150, %dma_start3A_151] : memref<64x16xi32, #tpu.memory_space<vmem>> -> memref<1x16xi32, #tpu.memory_space<vmem>>
        %dma_start3A_153 = tpu.memref_squeeze %dma_start3A_152 : memref<1x16xi32, #tpu.memory_space<vmem>> -> memref<16xi32, #tpu.memory_space<vmem>>
        %dma_start3A_154 = arith.constant 0 : i32
        %dma_start3A_155 = arith.constant 0 : i32
        %dma_start3A_156 = tpu.memref_slice %arg3[%dma_start3A_154, %dma_start3A_155] : memref<8192x1024xf32, #tpu.memory_space<hbm>> -> memref<8192x1024xf32, #tpu.memory_space<hbm>>
        tpu.enqueue_indirect_dma source(%dma_start3A_156 : memref<8192x1024xf32, #tpu.memory_space<hbm>>) target(%arg9 : memref<16x1024xf32, #tpu.memory_space<vmem>>) offsets(%dma_start3A_153 : memref<16xi32, #tpu.memory_space<vmem>>) semaphore(%arg13 : memref<!tpu.dma_semaphore, #tpu.memory_space<semaphore_mem>>)
      } else {
      }
      %mul3A_91 = arith.constant 4 : i32
      %mul3A_92 = arith.muli %mul3A_91, %scan3A_36 : i32
      %add3A_93 = arith.constant 2 : i32
      %add3A_94 = arith.addi %mul3A_92, %add3A_93 : i32
      %dma_wait3A_95 = arith.constant 0 : i32
      %dma_wait3A_96 = tpu.memref_slice %arg5[%add3A_94, %dma_wait3A_95] : memref<64x16xi32, #tpu.memory_space<vmem>> -> memref<1x16xi32, #tpu.memory_space<vmem>>
      %dma_wait3A_97 = tpu.memref_squeeze %dma_wait3A_96 : memref<1x16xi32, #tpu.memory_space<vmem>> -> memref<16xi32, #tpu.memory_space<vmem>>
      %dma_wait3A_98 = arith.constant 0 : i32
      %dma_wait3A_99 = arith.constant 0 : i32
      %dma_wait3A_100 = tpu.memref_slice %arg3[%dma_wait3A_98, %dma_wait3A_99] : memref<8192x1024xf32, #tpu.memory_space<hbm>> -> memref<8192x1024xf32, #tpu.memory_space<hbm>>
      tpu.wait_indirect_dma semaphore(%arg12 : memref<!tpu.dma_semaphore, #tpu.memory_space<semaphore_mem>>) src(%dma_wait3A_100 : memref<8192x1024xf32, #tpu.memory_space<hbm>>) dst(%arg8 : memref<16x1024xf32, #tpu.memory_space<vmem>>)
      %mul3A_101 = arith.constant 16 : i32
      %mul3A_102 = arith.muli %add3A_94, %mul3A_101 : i32
      %add3A_103 = arith.addi %mul3A_2, %mul3A_102 : i32
      %dma_start3A_104 = arith.constant 0 : i32
      %dma_start3A_105 = tpu.memref_slice %arg4[%add3A_103, %dma_start3A_104] : memref<32768x1024xf32, #tpu.memory_space<hbm>> -> memref<16x1024xf32, #tpu.memory_space<hbm>>
      %dma_start3A_106 = arith.constant 0 : i32
      %dma_start3A_107 = tpu.memref_slice %arg4[%add3A_103, %dma_start3A_106] : memref<32768x1024xf32, #tpu.memory_space<hbm>> -> memref<16x1024xf32, #tpu.memory_space<hbm>>
      tpu.enqueue_dma source(%arg8 : memref<16x1024xf32, #tpu.memory_space<vmem>>) target(%dma_start3A_107 : memref<16x1024xf32, #tpu.memory_space<hbm>>) target_semaphore(%arg16 : memref<!tpu.dma_semaphore, #tpu.memory_space<semaphore_mem>>)
      %ge3A_108 = arith.constant 2 : i32
      %ge3A_109 = arith.cmpi sge, %add3A_94, %ge3A_108 : i32
      %convert_element_type3A_110 = arith.extui %ge3A_109 : i1 to i32
      %cond3A_111 = arith.constant 0 : i32
      %cond3A_112 = arith.cmpi ne, %convert_element_type3A_110, %cond3A_111 : i32
      scf.if %cond3A_112 {
        %sub3A = arith.constant 2 : i32
        %sub3A_149 = arith.subi %add3A_94, %sub3A : i32
        %mul3A_150 = arith.constant 16 : i32
        %mul3A_151 = arith.muli %sub3A_149, %mul3A_150 : i32
        %add3A_152 = arith.addi %mul3A_2, %mul3A_151 : i32
        %dma_wait3A_153 = arith.constant 0 : i32
        %dma_wait3A_154 = tpu.memref_slice %arg4[%add3A_152, %dma_wait3A_153] : memref<32768x1024xf32, #tpu.memory_space<hbm>> -> memref<16x1024xf32, #tpu.memory_space<hbm>>
        %dma_wait3A_155 = arith.constant 0 : i32
        %dma_wait3A_156 = tpu.memref_slice %arg4[%add3A_152, %dma_wait3A_155] : memref<32768x1024xf32, #tpu.memory_space<hbm>> -> memref<16x1024xf32, #tpu.memory_space<hbm>>
        tpu.wait_dma2 semaphore(%arg14 : memref<!tpu.dma_semaphore, #tpu.memory_space<semaphore_mem>>) src(%arg6 : memref<16x1024xf32, #tpu.memory_space<vmem>>) dst(%dma_wait3A_156 : memref<16x1024xf32, #tpu.memory_space<hbm>>)
      } else {
      }
      %add3A_113 = arith.constant 2 : i32
      %add3A_114 = arith.addi %add3A_94, %add3A_113 : i32
      %lt3A_115 = arith.constant 64 : i32
      %lt3A_116 = arith.cmpi slt, %add3A_114, %lt3A_115 : i32
      %convert_element_type3A_117 = arith.extui %lt3A_116 : i1 to i32
      %cond3A_118 = arith.constant 0 : i32
      %cond3A_119 = arith.cmpi ne, %convert_element_type3A_117, %cond3A_118 : i32
      scf.if %cond3A_119 {
        %add3A_149 = arith.constant 2 : i32
        %add3A_150 = arith.addi %add3A_94, %add3A_149 : i32
        %dma_start3A_151 = arith.constant 0 : i32
        %dma_start3A_152 = tpu.memref_slice %arg5[%add3A_150, %dma_start3A_151] : memref<64x16xi32, #tpu.memory_space<vmem>> -> memref<1x16xi32, #tpu.memory_space<vmem>>
        %dma_start3A_153 = tpu.memref_squeeze %dma_start3A_152 : memref<1x16xi32, #tpu.memory_space<vmem>> -> memref<16xi32, #tpu.memory_space<vmem>>
        %dma_start3A_154 = arith.constant 0 : i32
        %dma_start3A_155 = arith.constant 0 : i32
        %dma_start3A_156 = tpu.memref_slice %arg3[%dma_start3A_154, %dma_start3A_155] : memref<8192x1024xf32, #tpu.memory_space<hbm>> -> memref<8192x1024xf32, #tpu.memory_space<hbm>>
        tpu.enqueue_indirect_dma source(%dma_start3A_156 : memref<8192x1024xf32, #tpu.memory_space<hbm>>) target(%arg6 : memref<16x1024xf32, #tpu.memory_space<vmem>>) offsets(%dma_start3A_153 : memref<16xi32, #tpu.memory_space<vmem>>) semaphore(%arg10 : memref<!tpu.dma_semaphore, #tpu.memory_space<semaphore_mem>>)
      } else {
      }
      %mul3A_120 = arith.constant 4 : i32
      %mul3A_121 = arith.muli %mul3A_120, %scan3A_36 : i32
      %add3A_122 = arith.constant 3 : i32
      %add3A_123 = arith.addi %mul3A_121, %add3A_122 : i32
      %dma_wait3A_124 = arith.constant 0 : i32
      %dma_wait3A_125 = tpu.memref_slice %arg5[%add3A_123, %dma_wait3A_124] : memref<64x16xi32, #tpu.memory_space<vmem>> -> memref<1x16xi32, #tpu.memory_space<vmem>>
      %dma_wait3A_126 = tpu.memref_squeeze %dma_wait3A_125 : memref<1x16xi32, #tpu.memory_space<vmem>> -> memref<16xi32, #tpu.memory_space<vmem>>
      %dma_wait3A_127 = arith.constant 0 : i32
      %dma_wait3A_128 = arith.constant 0 : i32
      %dma_wait3A_129 = tpu.memref_slice %arg3[%dma_wait3A_127, %dma_wait3A_128] : memref<8192x1024xf32, #tpu.memory_space<hbm>> -> memref<8192x1024xf32, #tpu.memory_space<hbm>>
      tpu.wait_indirect_dma semaphore(%arg13 : memref<!tpu.dma_semaphore, #tpu.memory_space<semaphore_mem>>) src(%dma_wait3A_129 : memref<8192x1024xf32, #tpu.memory_space<hbm>>) dst(%arg9 : memref<16x1024xf32, #tpu.memory_space<vmem>>)
      %mul3A_130 = arith.constant 16 : i32
      %mul3A_131 = arith.muli %add3A_123, %mul3A_130 : i32
      %add3A_132 = arith.addi %mul3A_2, %mul3A_131 : i32
      %dma_start3A_133 = arith.constant 0 : i32
      %dma_start3A_134 = tpu.memref_slice %arg4[%add3A_132, %dma_start3A_133] : memref<32768x1024xf32, #tpu.memory_space<hbm>> -> memref<16x1024xf32, #tpu.memory_space<hbm>>
      %dma_start3A_135 = arith.constant 0 : i32
      %dma_start3A_136 = tpu.memref_slice %arg4[%add3A_132, %dma_start3A_135] : memref<32768x1024xf32, #tpu.memory_space<hbm>> -> memref<16x1024xf32, #tpu.memory_space<hbm>>
      tpu.enqueue_dma source(%arg9 : memref<16x1024xf32, #tpu.memory_space<vmem>>) target(%dma_start3A_136 : memref<16x1024xf32, #tpu.memory_space<hbm>>) target_semaphore(%arg17 : memref<!tpu.dma_semaphore, #tpu.memory_space<semaphore_mem>>)
      %ge3A_137 = arith.constant 2 : i32
      %ge3A_138 = arith.cmpi sge, %add3A_123, %ge3A_137 : i32
      %convert_element_type3A_139 = arith.extui %ge3A_138 : i1 to i32
      %cond3A_140 = arith.constant 0 : i32
      %cond3A_141 = arith.cmpi ne, %convert_element_type3A_139, %cond3A_140 : i32
      scf.if %cond3A_141 {
        %sub3A = arith.constant 2 : i32
        %sub3A_149 = arith.subi %add3A_123, %sub3A : i32
        %mul3A_150 = arith.constant 16 : i32
        %mul3A_151 = arith.muli %sub3A_149, %mul3A_150 : i32
        %add3A_152 = arith.addi %mul3A_2, %mul3A_151 : i32
        %dma_wait3A_153 = arith.constant 0 : i32
        %dma_wait3A_154 = tpu.memref_slice %arg4[%add3A_152, %dma_wait3A_153] : memref<32768x1024xf32, #tpu.memory_space<hbm>> -> memref<16x1024xf32, #tpu.memory_space<hbm>>
        %dma_wait3A_155 = arith.constant 0 : i32
        %dma_wait3A_156 = tpu.memref_slice %arg4[%add3A_152, %dma_wait3A_155] : memref<32768x1024xf32, #tpu.memory_space<hbm>> -> memref<16x1024xf32, #tpu.memory_space<hbm>>
        tpu.wait_dma2 semaphore(%arg15 : memref<!tpu.dma_semaphore, #tpu.memory_space<semaphore_mem>>) src(%arg7 : memref<16x1024xf32, #tpu.memory_space<vmem>>) dst(%dma_wait3A_156 : memref<16x1024xf32, #tpu.memory_space<hbm>>)
      } else {
      }
      %add3A_142 = arith.constant 2 : i32
      %add3A_143 = arith.addi %add3A_123, %add3A_142 : i32
      %lt3A_144 = arith.constant 64 : i32
      %lt3A_145 = arith.cmpi slt, %add3A_143, %lt3A_144 : i32
      %convert_element_type3A_146 = arith.extui %lt3A_145 : i1 to i32
      %cond3A_147 = arith.constant 0 : i32
      %cond3A_148 = arith.cmpi ne, %convert_element_type3A_146, %cond3A_147 : i32
      scf.if %cond3A_148 {
        %add3A_149 = arith.constant 2 : i32
        %add3A_150 = arith.addi %add3A_123, %add3A_149 : i32
        %dma_start3A_151 = arith.constant 0 : i32
        %dma_start3A_152 = tpu.memref_slice %arg5[%add3A_150, %dma_start3A_151] : memref<64x16xi32, #tpu.memory_space<vmem>> -> memref<1x16xi32, #tpu.memory_space<vmem>>
        %dma_start3A_153 = tpu.memref_squeeze %dma_start3A_152 : memref<1x16xi32, #tpu.memory_space<vmem>> -> memref<16xi32, #tpu.memory_space<vmem>>
        %dma_start3A_154 = arith.constant 0 : i32
        %dma_start3A_155 = arith.constant 0 : i32
        %dma_start3A_156 = tpu.memref_slice %arg3[%dma_start3A_154, %dma_start3A_155] : memref<8192x1024xf32, #tpu.memory_space<hbm>> -> memref<8192x1024xf32, #tpu.memory_space<hbm>>
        tpu.enqueue_indirect_dma source(%dma_start3A_156 : memref<8192x1024xf32, #tpu.memory_space<hbm>>) target(%arg7 : memref<16x1024xf32, #tpu.memory_space<vmem>>) offsets(%dma_start3A_153 : memref<16xi32, #tpu.memory_space<vmem>>) semaphore(%arg11 : memref<!tpu.dma_semaphore, #tpu.memory_space<semaphore_mem>>)
      } else {
      }
    }
    %scan3A_20 = arith.constant 16 : i32
    %mul3A_21 = arith.constant 62 : i32
    %mul3A_22 = arith.constant 16 : i32
    %mul3A_23 = arith.muli %mul3A_21, %mul3A_22 : i32
    %add3A_24 = arith.addi %mul3A_2, %mul3A_23 : i32
    %dma_wait3A = arith.constant 0 : i32
    %dma_wait3A_25 = tpu.memref_slice %arg4[%add3A_24, %dma_wait3A] : memref<32768x1024xf32, #tpu.memory_space<hbm>> -> memref<16x1024xf32, #tpu.memory_space<hbm>>
    %dma_wait3A_26 = arith.constant 0 : i32
    %dma_wait3A_27 = tpu.memref_slice %arg4[%add3A_24, %dma_wait3A_26] : memref<32768x1024xf32, #tpu.memory_space<hbm>> -> memref<16x1024xf32, #tpu.memory_space<hbm>>
    tpu.wait_dma2 semaphore(%arg16 : memref<!tpu.dma_semaphore, #tpu.memory_space<semaphore_mem>>) src(%arg8 : memref<16x1024xf32, #tpu.memory_space<vmem>>) dst(%dma_wait3A_27 : memref<16x1024xf32, #tpu.memory_space<hbm>>)
    %mul3A_28 = arith.constant 63 : i32
    %mul3A_29 = arith.constant 16 : i32
    %mul3A_30 = arith.muli %mul3A_28, %mul3A_29 : i32
    %add3A_31 = arith.addi %mul3A_2, %mul3A_30 : i32
    %dma_wait3A_32 = arith.constant 0 : i32
    %dma_wait3A_33 = tpu.memref_slice %arg4[%add3A_31, %dma_wait3A_32] : memref<32768x1024xf32, #tpu.memory_space<hbm>> -> memref<16x1024xf32, #tpu.memory_space<hbm>>
    %dma_wait3A_34 = arith.constant 0 : i32
    %dma_wait3A_35 = tpu.memref_slice %arg4[%add3A_31, %dma_wait3A_34] : memref<32768x1024xf32, #tpu.memory_space<hbm>> -> memref<16x1024xf32, #tpu.memory_space<hbm>>
    tpu.wait_dma2 semaphore(%arg17 : memref<!tpu.dma_semaphore, #tpu.memory_space<semaphore_mem>>) src(%arg9 : memref<16x1024xf32, #tpu.memory_space<vmem>>) dst(%dma_wait3A_35 : memref<16x1024xf32, #tpu.memory_space<hbm>>)
    return
  }
}

</mosaic_0001>

<sc_bundles>
// kernel: kernel.3.cloned.1.call-start
scs
__scs_entry_jumppad:
0x0: {  	(pc) =	sbr.rel $0x88, $3  }
0x1: {  	(tag) =	ssettag $0x0;
	lr =	simm.s32 $0x1  }
0x2: {  	[smem:$0x3F9F] =	sst lr;
	_ =	strace $0xD0000000  }
0x3: {  	_ = 	snop  }
0x4: {  	_ = 	snop  }
0x5: {  	_ = 	snop  }
0x6: {  	_ = 	snop  }
0x7: {  	_ = 	snop  }
__scs_overlays_trampoline_lowered:
0x8: {  	[smem:$0x3FAE] =	sst s0  }
0x9: {  	[smem:$0x3FAF] =	sst s1  }
0xa: {  	[smem:$0x3FB0] =	sst s2  }
0xb: {  	[smem:$0x3FB1] =	sst s3  }
0xc: {  	[smem:$0x3FB2] =	sst s4  }
0xd: {  	[smem:$0x3FB3] =	sst s5  }
0xe: {  	[smem:$0x3FB4] =	sst s6  }
0xf: {  	[smem:$0x3FB5] =	sst s7  }
0x10: {  	[smem:$0x3FB6] =	sst s8  }
0x11: {  	[smem:$0x3FB7] =	sst s9;
	s0 =	simm.s32 @!p0 $0x0  }
0x12: {  	s1 =	sld [smem:$0x3F9D];
	s0 =	simm.s32 @p0 $0x1  }
0x13: {  	[smem:$0x3FB8] =	sst s0;
	s0 =	simm.s32 @!p1 $0x0  }
0x14: {  	s2 =	sld [smem:$0x3F9C];
	s0 =	simm.s32 @p1 $0x1  }
0x15: {  	[smem:$0x3FB9] =	sst s0;
	s0 =	simm.s32 @!p2 $0x0  }
0x16: {  	s3 =	sld [smem:$0x3FDB];
	s0 =	simm.s32 @p2 $0x1  }
0x17: {  	s4 =	simm.s32 $0x1BF5;
	[smem:$0x3FBB] =	sst s0  }
0x18: {  	s0 =	sld [smem:$0x3F9E];
	_ =	swait.ge [sflag:s4], $0x0  }
0x19: {  	s7 =	sld [smem:$0x3F9F]  }
0x1a: {  	s8 =	sadd.s32 $0xFFFFE003, lr  }
0x1b: {  	s9 =	sadd.s32 $0xFFFFFEF7, lr;
	s5 =	simm.s32 $0xFFFFFFFF;
	p2 =	slt.u32 s8, $0xFFFFF086  }
0x1c: {  	p1 =	slt.u32 s9, $0xF7A;
	s5 =	simm.s32 @!p2 $0x0  }
0x1d: {  	s5 =	simm.s32 @p1 $0x1;
	p0 =	seq.s32 s7, s2  }
0x1e: {  	s7 =	smul.u32 @!p0 $0xF7A, s2;
	p2 =	seq.s32 @!p0 s5, $0x0  }
0x1f: {  	s9 =	smul.u32 $0xF7A, s1;
	s8 =	simm.s32 @!p0 $0x1BF5;
	p2 =	por !p2, p0  }
0x20: {  	[sflag:s8] =	ssyncset.s32 @!p0 $0xFFFFF086;
	s6 =	sadd.s32 @!p0 s3, s7;
	s7 =	simm.s32 @!p0 $0x108  }
0x21: {  	s3 =	sadd.s32 s3, s9;
	s6 =	sadd.s32 @!p0 $0x88, s6;
	s7 =	simm.s32 @p2 $0x1082  }
0x22: {  	[simem:s7], [sflag:s8] =	dma.local @!p0 [hbm:s6], $0xF7A  }
0x23: {  	s9 =	sor.u32 $0xD0000000, s2;
	s6 =	simm.s32 $0x108;
	_ =	swait.ge @!p0 [sflag:s8], $0x0  }
0x24: {  	s3 =	sadd.s32 $0x88, s3;
	s6 =	simm.s32 @!p1 $0x1082;
	[sflag:s4] =	ssyncset.s32 $0xFFFFF086  }
0x25: {  	[simem:s6], [sflag:s4] =	dma.local [hbm:s3], $0xF7A  }
0x26: {  	[smem:$0x3F9F] =	sst s1;
	(tag) =	ssettag s2;
	_ =	strace s9  }
0x27: {  	s1 =	sld [smem:$0x3FAF]  }
0x28: {  	s2 =	sld [smem:$0x3FB0]  }
0x29: {  	s4 =	sld [smem:$0x3FB2]  }
0x2a: {  	p0 =	seq.s32 s5, $0x0;
	s5 =	sld [smem:$0x3FB3]  }
0x2b: {  	s6 =	sld [smem:$0x3FB4]  }
0x2c: {  	s7 =	sld [smem:$0x3FB5]  }
0x2d: {  	s3 =	simm.s32 $0x108;
	s8 =	sld [smem:$0x3FB6]  }
0x2e: {  	s3 =	simm.s32 @!p0 $0x1082;
	s9 =	sld [smem:$0x3FB7]  }
0x2f: {  	lr =	sadd.s32 s0, s3;
	s0 =	sld [smem:$0x3FAE]  }
0x30: {  	s3 =	sld [smem:$0x3FB1]  }
0x31: {  	[smem:$0x3FBA] =	sst s10  }
0x32: {  	s10 =	sld [smem:$0x3FB8];
	_ =	sdelay $0x3  }
0x33: {  	p0 =	seq.s32 s10, $0x1;
	s10 =	sld [smem:$0x3FBA];
	_ =	sdelay $0x3  }
0x34: {  	[smem:$0x3FBA] =	sst s10  }
0x35: {  	s10 =	sld [smem:$0x3FB9];
	_ =	sdelay $0x3  }
0x36: {  	p1 =	seq.s32 s10, $0x1;
	s10 =	sld [smem:$0x3FBA];
	_ =	sdelay $0x3  }
0x37: {  	[smem:$0x3FBA] =	sst s10  }
0x38: {  	s10 =	sld [smem:$0x3FBB]  }
0x39: {  	_ = 	snop;
	(pc) =	sbr.ind lr, $3  }
0x3a: {  	_ = 	snop  }
0x3b: {  	_ = 	snop  }
0x3c: {  	p2 =	seq.s32 s10, $0x1;
	s10 =	sld [smem:$0x3FBA]  }
0x3d: {  	_ =	shalt  }
0x3e: {  	_ =	shalt  }
0x3f: {  	_ =	shalt  }
0x40: {  	_ =	shalt  }
0x41: {  	_ =	shalt  }
0x42: {  	_ =	shalt  }
0x43: {  	_ =	shalt  }
0x44: {  	_ =	shalt  }
0x45: {  	_ =	shalt  }
0x46: {  	_ =	shalt  }
0x47: {  	_ =	shalt  }
0x48: {  	_ =	shalt  }
0x49: {  	_ =	shalt  }
0x4a: {  	_ =	shalt  }
0x4b: {  	_ =	shalt  }
0x4c: {  	_ =	shalt  }
0x4d: {  	_ =	shalt  }
0x4e: {  	_ =	shalt  }
0x4f: {  	_ =	shalt  }
0x50: {  	_ =	shalt  }
0x51: {  	_ =	shalt  }
0x52: {  	_ =	shalt  }
0x53: {  	_ =	shalt  }
0x54: {  	_ =	shalt  }
0x55: {  	_ =	shalt  }
0x56: {  	_ =	shalt  }
0x57: {  	_ =	shalt  }
0x58: {  	_ =	shalt  }
0x59: {  	_ =	shalt  }
0x5a: {  	_ =	shalt  }
0x5b: {  	_ =	shalt  }
0x5c: {  	_ =	shalt  }
0x5d: {  	_ =	shalt  }
0x5e: {  	_ =	shalt  }
0x5f: {  	_ =	shalt  }
0x60: {  	_ =	shalt  }
0x61: {  	_ =	shalt  }
0x62: {  	_ =	shalt  }
0x63: {  	_ =	shalt  }
0x64: {  	_ =	shalt  }
0x65: {  	_ =	shalt  }
0x66: {  	_ =	shalt  }
0x67: {  	_ =	shalt  }
0x68: {  	_ =	shalt  }
0x69: {  	_ =	shalt  }
0x6a: {  	_ =	shalt  }
0x6b: {  	_ =	shalt  }
0x6c: {  	_ =	shalt  }
0x6d: {  	_ =	shalt  }
0x6e: {  	_ =	shalt  }
0x6f: {  	_ =	shalt  }
0x70: {  	_ =	shalt  }
0x71: {  	_ =	shalt  }
0x72: {  	_ =	shalt  }
0x73: {  	_ =	shalt  }
0x74: {  	_ =	shalt  }
0x75: {  	_ =	shalt  }
0x76: {  	_ =	shalt  }
0x77: {  	_ =	shalt  }
0x78: {  	_ =	shalt  }
0x79: {  	_ =	shalt  }
0x7a: {  	_ =	shalt  }
0x7b: {  	_ =	shalt  }
0x7c: {  	_ =	shalt  }
0x7d: {  	_ =	shalt  }
0x7e: {  	_ =	shalt  }
0x7f: {  	_ =	shalt  }
0x80: {  	_ =	shalt  }
0x81: {  	_ =	shalt  }
0x82: {  	_ =	shalt  }
0x83: {  	_ =	shalt  }
0x84: {  	_ =	shalt  }
0x85: {  	_ =	shalt  }
0x86: {  	_ =	shalt  }
0x87: {  	_ =	shalt  }
.Lfunc_end0:
.L_simem_size_0:
called_computation_lowered:
.L_overlay_start_0:
0x88: {  	s2 =	sld [smem:$0x3FD9]  }
0x89: {  	s3 =	sld [smem:$0x3FFE];
	_ =	sdelay $0x1  }
0x8a: {  	s1 =	srdreg.scid  }
0x8b: {  	s0 =	sand.u32 $0x1, s1  }
0x8c: {  	s17 =	sshll.u32 s0, $0xA;
	s2 =	sadd.s32 s3, s2  }
0x8d: {  	s2 =	sadd.s32 s2, s17  }
0x8e: {  	[smem:$0x3FC6] =	sst s2  }
0x8f: {  	_ = 	snop  }
0x90: {  	s2 =	sld [smem:$0x3FC8]  }
0x91: {  	s18 =	sld [smem:$0x3FD0];
	(tm) =	ssettm $0x1  }
0x92: {  	s4 =	sld [smem:$0x3FFB];
	_ =	sdelay $0x3  }
0x93: {  	_ =	strace s4  }
0x94: {  	s4 =	sld [smem:$0x3FFC];
	_ =	sdelay $0x3  }
0x95: {  	_ =	strace s4  }
0x96: {  	s4 =	sld [smem:$0x3FFD];
	_ =	sdelay $0x3  }
0x97: {  	_ =	strace s4  }
0x98: {  	_ =	strace $0x8FFFFFFF  }
0x99: {  	s19 =	sld [smem:$0x3FDB];
	_ =	sdelay $0x1  }
0x9a: {  	s5 =	simm.s32 $_scs_section_size  }
0x9b: {  	s6 =	simm.s32 $_size__tile_overlayer_lowered;
	s7 =	simm.s32 $_tile_overlayer_lowered  }
0x9c: {  	s22 =	simm.s32 $0x1BFF;
	s21 =	sshll.u32 s7, $0x1;
	s4 =	sadd.s32 s5, s19  }
0x9d: {  	s8 =	simm.s32 $0x0;
	s20 =	sshll.u32 s6, $0x1;
	s6 =	sadd.s32 s21, s4  }
0x9e: {  	[timem:s8], [sflag:s22] =	dma.local [hbm:s6], s20  }
0x9f: {  	_ =	swait.ge [sflag:s22], s20  }
0xa0: {  	s5 =	ssub.s32 $0x0, s20;
	[sflag:s22] =	ssyncset.done $0x0  }
0xa1: {  	[sflag:s22] =	ssyncadd.s32 s5;
	_ =	sdelay $0x1  }
0xa2: {  	s23 =	simm.s32 $0x1B8B  }
0xa3: {  	_ =	swait.ge [sflag:s23], $0x1  }
0xa4: {  	[sflag:s23] =	ssyncset.done $0x0  }
0xa5: {  	s25 =	simm.s32 $0x1B8E;
	s24 =	sld [smem:$0x3FFE];
	[sflag:s23] =	ssyncadd.s32 $0xFFFFFFFF  }
0xa6: {  	s26 =	simm.s32 $execute0_lowered;
	[smem:$0x3FD2] =	sst s25  }
0xa7: {  	s6 =	sshll.u32 s26, $0x1;
	_ =	strace $0x80000046;
	[dreg:$0x1] =	wrdreg $0xFFFFFFFF  }
0xa8: {  	s28 =	simm.s32 $_size_execute0_lowered;
	s4 =	sadd.s32 s4, s6;
	[dreg:$0x0] =	wrdreg $0x0  }
0xa9: {  	s6 =	sshll.u32 s28, $0x1;
	[dreg:$0x2] =	wrdreg s4  }
0xaa: {  	[dreg:$0x3] =	wrdreg s6  }
0xab: {  	[dreg:$0x4] =	wrdreg $0xC0  }
0xac: {  	_ =	task [dreg:s8], $0x5FFFF  }
0xad: {  	[dreg:$0x1] =	wrdreg $0xFFFFFFFF  }
0xae: {  	[dreg:$0x0] =	wrdreg $0x60  }
0xaf: {  	[dreg:$0x2] =	wrdreg s24  }
0xb0: {  	[dreg:$0x3] =	wrdreg s2  }
0xb1: {  	[dreg:$0x4] =	wrdreg s18  }
0xb2: {  	[dreg:$0x5] =	wrdreg $0x9  }
0xb3: {  	_ =	task.clear_ibuf [dreg:s8], $0x6FFFF;
	_ =	strace $0x90000046  }
0xb4: {  	s29 =	simm.s32 $0x9;
	_ =	strace $0x80000048  }
0xb5: {  	_ =	swait.ge [sflag:s29], $0x1  }
0xb6: {  	[sflag:s29] =	ssyncadd.s32 $0xFFFFFFFF  }
0xb7: {  	_ =	strace $0x90000048  }
0xb8: {  	_ =	sfence  }
0xb9: {  	s30 =	sld [smem:$0x0];
	_ =	sdelay $0x2  }
0xba: {  	s31 =	sshll.u32 s1, $0xD;
	s1 =	sshrl.u32 s1, $0x2  }
0xbb: {  	s3 =	sand.u32 $0x4000, s31;
	s1 =	sadd.s32 s1, s30  }
0xbc: {  	s0 =	sor.u32 s3, s0;
	s1 =	sshll.u32 s1, $0x11  }
0xbd: {  	s0 =	sor.u32 s1, s0  }
0xbe: {  	s0 =	sadd.s32 $0x8F2B, s0  }
0xbf: {  	[sflag:s0] =	ssyncadd.remote.s32 $0x1  }
0xc0: {  	_ =	sfence.sel $0xFFFF  }
0xc1: {  	[dreg:$0x0] =	wrdreg $0xFFFFFFFF;
	(pc) =	sbr.abs _section_cstart, $3  }
0xc2: {  	[dreg:$0x1] =	wrdreg $0xFFFFFFFF  }
0xc3: {  	_ =	task.clear_ibuf [dreg:s8], $0x2FFFF;
	_ =	strace $0x9FFFFFFF  }
0xc4: {  	(tm) =	ssettm $0x7FFFFFFF  }
0xc5: {  	_ =	shalt  }
tec
execute0_lowered:
.L_overlay_start_1:
0x0: {  	(tag) =	ssettag $0x1  }
0x1: {  	s0 =	rddreg [dreg:$0x0]  }
0x2: {  	s1 =	rddreg [dreg:$0x1]  }
0x3: {  	s2 =	rddreg [dreg:$0x2];
	s4 =	srdreg.scid  }
0x4: {  	s3 =	simm.s32 $0x0;
	s9 =	stileid.u32;
	s19 =	simm.s32 $0x6000  }
0x5: {  	s28 =	simm.s32 $0x1;
	s29 =	simm.s32 $0xA000;
	s12 =	simm.s32 $0xC800  }
0x6: {  	s13 =	simm.s32 $0xD000;
	s14 =	simm.s32 $0xD800;
	s15 =	simm.s32 $0x2  }
0x7: {  	s16 =	simm.s32 $0xE000;
	s17 =	simm.s32 $0xE800;
	s18 =	simm.s32 $0xF000  }
0x8: {  	s10 =	simm.s32 $0x10800;
	s11 =	simm.s32 $0x11000;
	s20 =	simm.s32 $0x11800  }
0x9: {  	s21 =	simm.s32 $0x3;
	s22 =	simm.s32 $0x5;
	s23 =	simm.s32 $0x4  }
0xa: {  	s24 =	simm.s32 $0x6;
	s4 =	sand.u32 $0x1, s4;
	s5 =	sshll.u32 s9, $0xB  }
0xb: {  	[smem:$0x7FF] =	sst s3;
	s26 =	sshll.u32 s9, $0x12;
	s6 =	sshll.u32 s4, $0xA  }
0xc: {  	s7 =	ssub.s32 $0x2, s4;
	_ =	strace $0x80000047;
	s30 =	sshll.u32 s4, $0x11  }
0xd: {  	s4 =	simm.s32 $0xF800;
	s5 =	sor.u32 s6, s5;
	s25 =	sshrl.u32 s7, $0x1  }
.Ltmp0:
0xe: {  	s6 =	sadd.s32 $0x200, s1;
	s0 =	sadd.s32 s5, s0;
	(pc) =	sbr.rel .LBB2_1-.Ltmp0, $4  }
0xf: {  	s8 =	ssub.s32 s7, s25;
	s5 =	sadd.s32 $0x100, s1;
	s0 =	sadd.s32 $0x400, s0  }
0x10: {  	v2 =	vlaneseq.u32;
	s7 =	sadd.s32 $0x300, s1;
	s31 =	smax.u32 s8, $0x1;
	[dreg:$0x4] =	wrdreg s0  }
0x11: {  	vm0 =	vmmov $0xffff;
	v1 =	vshrl.u32 v2, $0x3;
	s8 =	simm.s32 $0x10000;
	s0 =	sadd.s32 s26, s2;
	[dreg:$0x5] =	wrdreg s31  }
0x12: {  	v0 =	vand.u32 $0x7, v2;
	v2 =	vor.u32 $0x8, v2;
	v1 =	vmul.u32 $0x8, v1;
	s2 =	simm.s32 $0xC000;
	s26 =	simm.s32 $0x0;
	s9 =	sadd.s32 s30, s0  }
.LBB2_4:
0x13: {  	s0 =	simm.s32 $0x7  }
0x14: {  	_ =	swait.ge [sflag:s0], $0x4000  }
0x15: {  	[sflag:s0] =	ssyncset.done $0x0  }
0x16: {  	s25 =	simm.s32 $0x8;
	[sflag:s0] =	ssyncadd.s32 $0xFFFFC000  }
0x17: {  	_ =	swait.ge [sflag:s25], $0x4000  }
0x18: {  	s26 =	rddreg [dreg:$0x6]  }
0x19: {  	s31 =	rddreg [dreg:$0x5];
	s26 =	sadd.s32 $0x1, s26  }
0x1a: {  	p0 =	sne.s32 s26, s31  }
.Ltmp1:
0x1b: {  	_ = 	snop;
	(pc) =	sbr.rel @!p0 .LBB2_5-.Ltmp1, $3  }
0x1c: {  	_ =	sdelay $0x1  }
0x1d: {  	[sflag:s25] =	ssyncset.done $0x0  }
0x1e: {  	[sflag:s25] =	ssyncadd.s32 $0xFFFFC000  }
.LBB2_1:
0x1f: {  	[dreg:$0x6] =	wrdreg s26  }
0x20: {  	s0 =	rddreg [dreg:$0x4];
	s25 =	simm.s32 $0x9  }
0x21: {  	[tilespmem:s3], [sflag:$0x9] =	stream.linear.gather [hbm4b:s0+s3], $0x2000, $0x38;
	[tilespmem:$0x12000] =	vst v63  }
0x22: {  	_ =	swait.ge [sflag:s25], $0x2000  }
0x23: {  	[sflag:s25] =	ssyncset.done $0x0  }
0x24: {  	[sflag:s25] =	ssyncadd.s32 $0xFFFFE000  }
0x25: {  	v3 =	vld [tilespmem:$0x0];
	_ =	sdelay $0x4  }
0x26: {  	v4 =	vshll.u32 v3, $0x3  }
0x27: {  	v3 =	vand.u32 $0x7, v3;
	v4 =	vand.u32 $0xFFFFFFC0, v4  }
0x28: {  	v3 =	vor.u32 v3, v4  }
0x29: {  	v4 =	vperm.xlane v3, v0;
	_ =	sdelay $0x1  }
0x2a: {  	v4 =	vadd.s32 v1, v4;
	_ =	sdelay $0x3  }
0x2b: {  	s26 =	simm.s32 $0x2000  }
0x2c: {  	[tilespmem:s26], [sflag:$0x1] =	stream.indirect_vreg.gather [hbm4b:s1+s3], $0x80, v4, vm0, $0xb8;
	[tilespmem:$0x12000] =	vst v63  }
0x2d: {  	s30 =	simm.s32 $0x2800;
	v3 =	vperm.xlane v3, v2  }
0x2e: {  	[tilespmem:s30], [sflag:$0x1] =	stream.indirect_vreg.gather [hbm4b:s5+s3], $0x80, v4, vm0, $0xb8;
	[tilespmem:$0x12000] =	vst v63  }
0x2f: {  	s31 =	simm.s32 $0x3000;
	v3 =	vadd.s32 v1, v3  }
0x30: {  	[tilespmem:s31], [sflag:$0x1] =	stream.indirect_vreg.gather [hbm4b:s6+s3], $0x80, v4, vm0, $0xb8;
	[tilespmem:$0x12000] =	vst v63  }
0x31: {  	s25 =	simm.s32 $0x3800  }
0x32: {  	[tilespmem:s25], [sflag:$0x1] =	stream.indirect_vreg.gather [hbm4b:s7+s3], $0x80, v4, vm0, $0xb8;
	[tilespmem:$0x12000] =	vst v63  }
0x33: {  	s26 =	simm.s32 $0x4000  }
0x34: {  	[tilespmem:s26], [sflag:$0x1] =	stream.indirect_vreg.gather [hbm4b:s1+s3], $0x80, v3, vm0, $0xb8;
	[tilespmem:$0x12000] =	vst v63  }
0x35: {  	s30 =	simm.s32 $0x4800  }
0x36: {  	[tilespmem:s30], [sflag:$0x1] =	stream.indirect_vreg.gather [hbm4b:s5+s3], $0x80, v3, vm0, $0xb8;
	[tilespmem:$0x12000] =	vst v63  }
0x37: {  	s31 =	simm.s32 $0x5000  }
0x38: {  	[tilespmem:s31], [sflag:$0x1] =	stream.indirect_vreg.gather [hbm4b:s6+s3], $0x80, v3, vm0, $0xb8;
	[tilespmem:$0x12000] =	vst v63  }
0x39: {  	s25 =	simm.s32 $0x5800  }
0x3a: {  	[tilespmem:s25], [sflag:$0x1] =	stream.indirect_vreg.gather [hbm4b:s7+s3], $0x80, v3, vm0, $0xb8;
	[tilespmem:$0x12000] =	vst v63  }
0x3b: {  	v3 =	vld [tilespmem:$0x80];
	_ =	sdelay $0x4  }
0x3c: {  	v63 =	vshll.u32 v3, $0x3  }
0x3d: {  	v3 =	vand.u32 $0x7, v3;
	v4 =	vand.u32 $0xFFFFFFC0, v63  }
0x3e: {  	v3 =	vor.u32 v3, v4  }
0x3f: {  	v4 =	vperm.xlane v3, v0;
	_ =	sdelay $0x1  }
0x40: {  	v4 =	vadd.s32 v1, v4;
	_ =	sdelay $0x4  }
0x41: {  	[tilespmem:s19], [sflag:$0x2] =	stream.indirect_vreg.gather [hbm4b:s1+s3], $0x80, v4, vm0, $0xb8;
	[tilespmem:$0x12000] =	vst v63  }
0x42: {  	s26 =	simm.s32 $0x6800;
	v3 =	vperm.xlane v3, v2  }
0x43: {  	[tilespmem:s26], [sflag:$0x2] =	stream.indirect_vreg.gather [hbm4b:s5+s3], $0x80, v4, vm0, $0xb8;
	[tilespmem:$0x12000] =	vst v63  }
0x44: {  	s30 =	simm.s32 $0x7000;
	v3 =	vadd.s32 v1, v3  }
0x45: {  	[tilespmem:s30], [sflag:$0x2] =	stream.indirect_vreg.gather [hbm4b:s6+s3], $0x80, v4, vm0, $0xb8;
	[tilespmem:$0x12000] =	vst v63  }
0x46: {  	s31 =	simm.s32 $0x7800  }
0x47: {  	[tilespmem:s31], [sflag:$0x2] =	stream.indirect_vreg.gather [hbm4b:s7+s3], $0x80, v4, vm0, $0xb8;
	[tilespmem:$0x12000] =	vst v63  }
0x48: {  	s25 =	simm.s32 $0x8000  }
0x49: {  	[tilespmem:s25], [sflag:$0x2] =	stream.indirect_vreg.gather [hbm4b:s1+s3], $0x80, v3, vm0, $0xb8;
	[tilespmem:$0x12000] =	vst v63  }
0x4a: {  	s26 =	simm.s32 $0x8800  }
0x4b: {  	[tilespmem:s26], [sflag:$0x2] =	stream.indirect_vreg.gather [hbm4b:s5+s3], $0x80, v3, vm0, $0xb8;
	[tilespmem:$0x12000] =	vst v63  }
0x4c: {  	s30 =	simm.s32 $0x9000  }
0x4d: {  	[tilespmem:s30], [sflag:$0x2] =	stream.indirect_vreg.gather [hbm4b:s6+s3], $0x80, v3, vm0, $0xb8;
	[tilespmem:$0x12000] =	vst v63  }
0x4e: {  	s31 =	simm.s32 $0x9800;
	s25 =	simm.s32 $0x180;
	s26 =	simm.s32 $0x0  }
0x4f: {  	[tilespmem:s31], [sflag:$0x2] =	stream.indirect_vreg.gather [hbm4b:s7+s3], $0x80, v3, vm0, $0xb8;
	[tilespmem:$0x12000] =	vst v63  }
.LBB2_2:
0x50: {  	_ =	swait.ge [sflag:s28], $0x4000  }
0x51: {  	s30 =	sadd.s32 s26, s9;
	p0 =	seq.s32 s26, $0x0;
	[sflag:s28] =	ssyncset.done $0x0  }
0x52: {  	s0 =	simm.s32 $0x2000;
	s31 =	simm.s32 @!p0 $0x7;
	[sflag:s28] =	ssyncadd.s32 $0xFFFFC000  }
0x53: {  	[hbm4b:s30+s3] =	stream.linear.scatter [tilespmem:s0], [sflag:$0x5], $0x4000, $0x38;
	[tilespmem:$0x12000] =	vst v63  }
0x54: {  	_ =	swait.ge @!p0 [sflag:s31], $0x4000  }
0x55: {  	[sflag:s31] =	ssyncset.done @!p0 $0x0  }
0x56: {  	[sflag:s31] =	ssyncadd.s32 @!p0 $0xFFFFC000  }
0x57: {  	v3 =	vld [tilespmem:s25+$0xFFFFFF80];
	_ =	sdelay $0x4  }
0x58: {  	v4 =	vshll.u32 v3, $0x3  }
0x59: {  	v3 =	vand.u32 $0x7, v3;
	v4 =	vand.u32 $0xFFFFFFC0, v4  }
0x5a: {  	v3 =	vor.u32 v3, v4  }
0x5b: {  	v4 =	vperm.xlane v3, v0;
	_ =	sdelay $0x1  }
0x5c: {  	v4 =	vadd.s32 v1, v4;
	_ =	sdelay $0x4  }
0x5d: {  	[tilespmem:s29], [sflag:$0x3] =	stream.indirect_vreg.gather [hbm4b:s1+s3], $0x80, v4, vm0, $0xb8;
	[tilespmem:$0x12000] =	vst v63  }
0x5e: {  	s31 =	simm.s32 $0xA800;
	v3 =	vperm.xlane v3, v2  }
0x5f: {  	[tilespmem:s31], [sflag:$0x3] =	stream.indirect_vreg.gather [hbm4b:s5+s3], $0x80, v4, vm0, $0xb8;
	[tilespmem:$0x12000] =	vst v63  }
0x60: {  	v3 =	vadd.s32 v1, v3;
	s31 =	simm.s32 $0xB000  }
0x61: {  	[tilespmem:s31], [sflag:$0x3] =	stream.indirect_vreg.gather [hbm4b:s6+s3], $0x80, v4, vm0, $0xb8;
	[tilespmem:$0x12000] =	vst v63  }
0x62: {  	s31 =	simm.s32 $0xB800  }
0x63: {  	[tilespmem:s31], [sflag:$0x3] =	stream.indirect_vreg.gather [hbm4b:s7+s3], $0x80, v4, vm0, $0xb8;
	[tilespmem:$0x12000] =	vst v63  }
0x64: {  	_ = 	snop  }
0x65: {  	[tilespmem:s2], [sflag:$0x3] =	stream.indirect_vreg.gather [hbm4b:s1+s3], $0x80, v3, vm0, $0xb8;
	[tilespmem:$0x12000] =	vst v63  }
0x66: {  	_ = 	snop  }
0x67: {  	[tilespmem:s12], [sflag:$0x3] =	stream.indirect_vreg.gather [hbm4b:s5+s3], $0x80, v3, vm0, $0xb8;
	[tilespmem:$0x12000] =	vst v63  }
0x68: {  	_ = 	snop  }
0x69: {  	[tilespmem:s13], [sflag:$0x3] =	stream.indirect_vreg.gather [hbm4b:s6+s3], $0x80, v3, vm0, $0xb8;
	[tilespmem:$0x12000] =	vst v63  }
0x6a: {  	_ = 	snop  }
0x6b: {  	[tilespmem:s14], [sflag:$0x3] =	stream.indirect_vreg.gather [hbm4b:s7+s3], $0x80, v3, vm0, $0xb8;
	[tilespmem:$0x12000] =	vst v63  }
0x6c: {  	_ =	swait.ge [sflag:s15], $0x4000  }
0x6d: {  	[sflag:s15] =	ssyncset.done $0x0  }
0x6e: {  	s0 =	sadd.s32 $0x800, s30;
	s31 =	simm.s32 @!p0 $0x8;
	[sflag:s15] =	ssyncadd.s32 $0xFFFFC000  }
0x6f: {  	[hbm4b:s0+s3] =	stream.linear.scatter [tilespmem:s19], [sflag:$0x6], $0x4000, $0x38;
	[tilespmem:$0x12000] =	vst v63  }
0x70: {  	_ =	swait.ge @!p0 [sflag:s31], $0x4000  }
0x71: {  	[sflag:s31] =	ssyncset.done @!p0 $0x0  }
0x72: {  	[sflag:s31] =	ssyncadd.s32 @!p0 $0xFFFFC000  }
0x73: {  	v3 =	vld [tilespmem:s25+$0x0];
	_ =	sdelay $0x4  }
0x74: {  	v63 =	vshll.u32 v3, $0x3  }
0x75: {  	v3 =	vand.u32 $0x7, v3;
	v4 =	vand.u32 $0xFFFFFFC0, v63  }
0x76: {  	v3 =	vor.u32 v3, v4  }
0x77: {  	v4 =	vperm.xlane v3, v0;
	_ =	sdelay $0x1  }
0x78: {  	v4 =	vadd.s32 v1, v4;
	_ =	sdelay $0x4  }
0x79: {  	[tilespmem:s16], [sflag:$0x4] =	stream.indirect_vreg.gather [hbm4b:s1+s3], $0x80, v4, vm0, $0xb8;
	[tilespmem:$0x12000] =	vst v63  }
0x7a: {  	v3 =	vperm.xlane v3, v2  }
0x7b: {  	[tilespmem:s17], [sflag:$0x4] =	stream.indirect_vreg.gather [hbm4b:s5+s3], $0x80, v4, vm0, $0xb8;
	[tilespmem:$0x12000] =	vst v63  }
0x7c: {  	v3 =	vadd.s32 v1, v3  }
0x7d: {  	[tilespmem:s18], [sflag:$0x4] =	stream.indirect_vreg.gather [hbm4b:s6+s3], $0x80, v4, vm0, $0xb8;
	[tilespmem:$0x12000] =	vst v63  }
0x7e: {  	_ = 	snop  }
0x7f: {  	[tilespmem:s4], [sflag:$0x4] =	stream.indirect_vreg.gather [hbm4b:s7+s3], $0x80, v4, vm0, $0xb8;
	[tilespmem:$0x12000] =	vst v63  }
0x80: {  	_ = 	snop  }
0x81: {  	[tilespmem:s8], [sflag:$0x4] =	stream.indirect_vreg.gather [hbm4b:s1+s3], $0x80, v3, vm0, $0xb8;
	[tilespmem:$0x12000] =	vst v63  }
0x82: {  	_ = 	snop  }
0x83: {  	[tilespmem:s10], [sflag:$0x4] =	stream.indirect_vreg.gather [hbm4b:s5+s3], $0x80, v3, vm0, $0xb8;
	[tilespmem:$0x12000] =	vst v63  }
0x84: {  	_ = 	snop  }
0x85: {  	[tilespmem:s11], [sflag:$0x4] =	stream.indirect_vreg.gather [hbm4b:s6+s3], $0x80, v3, vm0, $0xb8;
	[tilespmem:$0x12000] =	vst v63  }
0x86: {  	_ = 	snop  }
0x87: {  	[tilespmem:s20], [sflag:$0x4] =	stream.indirect_vreg.gather [hbm4b:s7+s3], $0x80, v3, vm0, $0xb8;
	[tilespmem:$0x12000] =	vst v63  }
0x88: {  	_ =	swait.ge [sflag:s21], $0x4000  }
0x89: {  	[sflag:s21] =	ssyncset.done $0x0  }
0x8a: {  	s0 =	sadd.s32 $0x1000, s30;
	[sflag:s21] =	ssyncadd.s32 $0xFFFFC000  }
0x8b: {  	[hbm4b:s0+s3] =	stream.linear.scatter [tilespmem:s29], [sflag:$0x7], $0x4000, $0x38;
	[tilespmem:$0x12000] =	vst v63  }
0x8c: {  	_ =	swait.ge [sflag:s22], $0x4000  }
0x8d: {  	[sflag:s22] =	ssyncset.done $0x0  }
0x8e: {  	p0 =	seq.s32 s26, $0x1E000;
	[sflag:s22] =	ssyncadd.s32 $0xFFFFC000  }
0x8f: {  	v3 =	vld @!p0 [tilespmem:s25+$0x80];
	_ =	sdelay $0x4  }
0x90: {  	v4 =	vshll.u32 @!p0 v3, $0x3  }
0x91: {  	v5 =	vlaneseq.u32 @!p0;
	v3 =	vand.u32 @!p0 $0x7, v3;
	v4 =	vand.u32 @!p0 $0xFFFFFFC0, v4  }
0x92: {  	v6 =	vshrl.u32 @!p0 v5, $0x3;
	v3 =	vor.u32 @!p0 v3, v4;
	v4 =	vand.u32 @!p0 $0x7, v5  }
0x93: {  	v6 =	vmul.u32 @!p0 $0x8, v6;
	v4 =	vperm.xlane @!p0 v3, v4;
	_ =	sdelay $0x1  }
0x94: {  	v4 =	vadd.s32 @!p0 v6, v4;
	_ =	sdelay $0x3  }
0x95: {  	vm1 =	vmmov @!p0 $0xffff;
	s31 =	simm.s32 @!p0 $0x0;
	s0 =	simm.s32 @!p0 $0x2000  }
0x96: {  	v5 =	vor.u32 @!p0 $0x8, v5;
	[tilespmem:s0], [sflag:$0x1] =	stream.indirect_vreg.gather @!p0 [hbm4b:s1+s31], $0x80, v4, vm1, $0xb8;
	[tilespmem:$0x12000] =	vst v63  }
0x97: {  	v3 =	vperm.xlane @!p0 v3, v5;
	s0 =	simm.s32 @!p0 $0x2800  }
0x98: {  	[tilespmem:s0], [sflag:$0x1] =	stream.indirect_vreg.gather @!p0 [hbm4b:s5+s31], $0x80, v4, vm1, $0xb8;
	[tilespmem:$0x12000] =	vst v63  }
0x99: {  	v3 =	vadd.s32 @!p0 v6, v3;
	s0 =	simm.s32 @!p0 $0x3000  }
0x9a: {  	[tilespmem:s0], [sflag:$0x1] =	stream.indirect_vreg.gather @!p0 [hbm4b:s6+s31], $0x80, v4, vm1, $0xb8;
	[tilespmem:$0x12000] =	vst v63  }
0x9b: {  	s0 =	simm.s32 @!p0 $0x3800  }
0x9c: {  	[tilespmem:s0], [sflag:$0x1] =	stream.indirect_vreg.gather @!p0 [hbm4b:s7+s31], $0x80, v4, vm1, $0xb8;
	[tilespmem:$0x12000] =	vst v63  }
0x9d: {  	s0 =	simm.s32 @!p0 $0x4000  }
0x9e: {  	[tilespmem:s0], [sflag:$0x1] =	stream.indirect_vreg.gather @!p0 [hbm4b:s1+s31], $0x80, v3, vm1, $0xb8;
	[tilespmem:$0x12000] =	vst v63  }
0x9f: {  	s0 =	simm.s32 @!p0 $0x4800  }
0xa0: {  	[tilespmem:s0], [sflag:$0x1] =	stream.indirect_vreg.gather @!p0 [hbm4b:s5+s31], $0x80, v3, vm1, $0xb8;
	[tilespmem:$0x12000] =	vst v63  }
0xa1: {  	s0 =	simm.s32 @!p0 $0x5000  }
0xa2: {  	[tilespmem:s0], [sflag:$0x1] =	stream.indirect_vreg.gather @!p0 [hbm4b:s6+s31], $0x80, v3, vm1, $0xb8;
	[tilespmem:$0x12000] =	vst v63  }
0xa3: {  	s0 =	simm.s32 @!p0 $0x5800  }
0xa4: {  	[tilespmem:s0], [sflag:$0x1] =	stream.indirect_vreg.gather @!p0 [hbm4b:s7+s31], $0x80, v3, vm1, $0xb8;
	[tilespmem:$0x12000] =	vst v63  }
0xa5: {  	_ =	swait.ge [sflag:s23], $0x4000  }
0xa6: {  	[sflag:s23] =	ssyncset.done $0x0  }
.Ltmp2:
0xa7: {  	s31 =	sadd.s32 $0x1800, s30;
	[sflag:s23] =	ssyncadd.s32 $0xFFFFC000;
	(pc) =	sbr.rel @p0 .LBB2_4-.Ltmp2, $4  }
0xa8: {  	[hbm4b:s31+s3] =	stream.linear.scatter [tilespmem:s16], [sflag:$0x8], $0x4000, $0x38;
	[tilespmem:$0x12000] =	vst v63  }
0xa9: {  	_ =	swait.ge [sflag:s24], $0x4000  }
0xaa: {  	[sflag:s24] =	ssyncset.done $0x0  }
0xab: {  	[sflag:s24] =	ssyncadd.s32 $0xFFFFC000  }
0xac: {  	v3 =	vld [tilespmem:s25+$0x100];
	_ =	sdelay $0x4  }
0xad: {  	v4 =	vshll.u32 v3, $0x3  }
0xae: {  	v3 =	vand.u32 $0x7, v3;
	v4 =	vand.u32 $0xFFFFFFC0, v4  }
0xaf: {  	v3 =	vor.u32 v3, v4  }
0xb0: {  	v4 =	vperm.xlane v3, v0;
	_ =	sdelay $0x1  }
0xb1: {  	v4 =	vadd.s32 v1, v4;
	_ =	sdelay $0x4  }
0xb2: {  	[tilespmem:s19], [sflag:$0x2] =	stream.indirect_vreg.gather [hbm4b:s1+s3], $0x80, v4, vm0, $0xb8;
	[tilespmem:$0x12000] =	vst v63  }
0xb3: {  	s0 =	simm.s32 $0x6800;
	v3 =	vperm.xlane v3, v2  }
0xb4: {  	[tilespmem:s0], [sflag:$0x2] =	stream.indirect_vreg.gather [hbm4b:s5+s3], $0x80, v4, vm0, $0xb8;
	[tilespmem:$0x12000] =	vst v63  }
0xb5: {  	s30 =	simm.s32 $0x7000;
	v3 =	vadd.s32 v1, v3  }
0xb6: {  	[tilespmem:s30], [sflag:$0x2] =	stream.indirect_vreg.gather [hbm4b:s6+s3], $0x80, v4, vm0, $0xb8;
	[tilespmem:$0x12000] =	vst v63  }
0xb7: {  	s31 =	simm.s32 $0x7800  }
0xb8: {  	[tilespmem:s31], [sflag:$0x2] =	stream.indirect_vreg.gather [hbm4b:s7+s3], $0x80, v4, vm0, $0xb8;
	[tilespmem:$0x12000] =	vst v63  }
0xb9: {  	s30 =	simm.s32 $0x8000  }
0xba: {  	[tilespmem:s30], [sflag:$0x2] =	stream.indirect_vreg.gather [hbm4b:s1+s3], $0x80, v3, vm0, $0xb8;
	[tilespmem:$0x12000] =	vst v63  }
0xbb: {  	s31 =	simm.s32 $0x8800  }
0xbc: {  	[tilespmem:s31], [sflag:$0x2] =	stream.indirect_vreg.gather [hbm4b:s5+s3], $0x80, v3, vm0, $0xb8;
	[tilespmem:$0x12000] =	vst v63  }
.Ltmp3:
0xbd: {  	_ = 	snop;
	(pc) =	sbr.rel .LBB2_2-.Ltmp3, $4  }
0xbe: {  	s30 =	simm.s32 $0x9000  }
0xbf: {  	[tilespmem:s30], [sflag:$0x2] =	stream.indirect_vreg.gather [hbm4b:s6+s3], $0x80, v3, vm0, $0xb8;
	[tilespmem:$0x12000] =	vst v63  }
0xc0: {  	s26 =	sadd.s32 $0x2000, s26;
	s25 =	sadd.s32 $0x200, s25;
	s31 =	simm.s32 $0x9800  }
0xc1: {  	[tilespmem:s31], [sflag:$0x2] =	stream.indirect_vreg.gather [hbm4b:s7+s3], $0x80, v3, vm0, $0xb8;
	[tilespmem:$0x12000] =	vst v63  }
.LBB2_5:
0xc2: {  	_ =	sfence.sel $0x180000  }
0xc3: {  	[bflag:$0x0] =	sbarrier.arrive $0xFFFF  }
0xc4: {  	_ =	strace $0x90000047  }
0xc5: {  	s0 =	stileid.u32;
	[bflag:$0x2] =	sbarrier.arrive $0xFFFF  }
0xc6: {  	p0 =	sne.s32 s0, $0x0;
	s0 =	rddreg [dreg:$0x3]  }
0xc7: {  	s0 =	sadd.s32 @!p0 $0x100000, s0  }
0xc8: {  	[sflag:s0] =	ssyncadd.tile.s32 @!p0 $0x1;
	_ =	shalt  }
.Lfunc_end2:
_tile_overlayer_lowered:
.L_overlay_start_2:
0xc9: {  	(tag) =	ssettag $0x2  }
0xca: {  	s0 =	rddreg [dreg:$0x0];
	s2 =	stileid.u32  }
0xcb: {  	s1 =	rddreg [dreg:$0x1];
	p0 =	sne.s32 s2, $0x0  }
0xcc: {  	s3 =	rddreg [dreg:$0x2];
	[bflag:$0x3] =	sbarrier.arrive $0xFFFF;
	s2 =	simm.s32 @!p0 $0x1C09  }
0xcd: {  	[timem:s3], [sflag:s2] =	dma.local @!p0 [hbm:s0], s1  }
0xce: {  	s0 =	simm.s32 @!p0 $0x9  }
0xcf: {  	_ =	swait.ge @!p0 [sflag:s0], s1  }
0xd0: {  	s1 =	ssub.s32 @!p0 $0x0, s1;
	[sflag:s0] =	ssyncset.done @!p0 $0x0  }
0xd1: {  	[sflag:s0] =	ssyncadd.s32 @!p0 s1  }
0xd2: {  	[bflag:$0x3] =	sbarrier.arrive $0xFFFF  }
0xd3: {  	_ =	shalt  }

</sc_bundles>
